<compile_context>
chip_gen: v7x
topology: tpu7x:2x2x1
jax: 0.10.2.dev20260603
libtpu: 0.0.44.dev20260713+nightly
codegen_flags: <defaults>
</compile_context>

<pallas_src>
import functools
import jax
import jax.numpy as jnp
from jax import lax
from jax.experimental import pallas as pl
from jax.experimental.pallas import tpu as pltpu
from jax.experimental.pallas import tpu_sc as plsc

NC, NS, L = 2, 16, 16
NW = NC * NS

ROWS = 16384
COLS = 200
TC_ROWS = 10240
SC_ROWS = ROWS - TC_ROWS
SC_N = SC_ROWS * COLS
PER_W = SC_N // NW
CHUNK = 12800
NCHUNK = PER_W // CHUNK
UNROLL = 4
VEC_ITERS = CHUNK // (16 * UNROLL)

_TC_GRID = 4


def _rowsum_body(emb_ref, out_ref):
    out_ref[...] = jax.lax.dot_general(
        jnp.ones((1, emb_ref.shape[0]), jnp.float32),
        emb_ref[...],
        (((1,), (0,)), ((), ())),
        preferred_element_type=jnp.float32,
        precision=jax.lax.Precision.HIGHEST,
    )


def _tc_body(idx_ref, rs_ref, out_ref):
    i = pl.program_id(0)
    rs = rs_ref[...]
    idx = idx_ref[...]
    table = jnp.broadcast_to(rs, (idx.shape[0], rs.shape[1]))
    vals = jnp.take_along_axis(table, idx, axis=1)
    part = jnp.sum(vals, keepdims=True).reshape(1, 1)

    @pl.when(i == 0)
    def _():
        out_ref[...] = part - 1.0

    @pl.when(i > 0)
    def _():
        out_ref[...] += part


def _finish_body(parts_ref, tc_ref, out_ref):
    out_ref[...] = jnp.sum(parts_ref[...], keepdims=True).reshape(1, 1) + tc_ref[...]


def _sc_body(idx_hbm, rs_hbm, out_hbm, rs_v, bufa, bufb, acc_v, sem_rs, sema, semb):
    wid = lax.axis_index("s") * NC + lax.axis_index("c")
    base = wid * PER_W

    pltpu.async_copy(rs_hbm, rs_v, sem_rs).wait()

    bufs = (bufa, bufb)
    sems = (sema, semb)
    copies = [None, None]
    copies[0] = pltpu.async_copy(idx_hbm.at[pl.ds(base, CHUNK)], bufa, sema)

    zero = jnp.zeros((16,), jnp.float32)
    accs = (zero, zero, zero, zero)

    for k in range(NCHUNK):
        cur = k % 2
        if k + 1 < NCHUNK:
            copies[1 - cur] = pltpu.async_copy(
                idx_hbm.at[pl.ds(base + (k + 1) * CHUNK, CHUNK)],
                bufs[1 - cur], sems[1 - cur])
        copies[cur].wait()
        buf = bufs[cur]

        def body(j, accs):
            a0, a1, a2, a3 = accs
            off = j * (16 * UNROLL)
            g0 = plsc.load_gather(rs_v, [buf[pl.ds(off, 16)]])
            g1 = plsc.load_gather(rs_v, [buf[pl.ds(off + 16, 16)]])
            g2 = plsc.load_gather(rs_v, [buf[pl.ds(off + 32, 16)]])
            g3 = plsc.load_gather(rs_v, [buf[pl.ds(off + 48, 16)]])
            return (a0 + g0, a1 + g1, a2 + g2, a3 + g3)

        accs = lax.fori_loop(0, VEC_ITERS, body, accs)

    acc_v[...] = accs[0] + accs[1] + accs[2] + accs[3]
    pltpu.sync_copy(acc_v, out_hbm.at[wid])


_sc_partials = functools.partial(
    pl.kernel,
    mesh=plsc.VectorSubcoreMesh(core_axis_name="c", subcore_axis_name="s"),
    out_type=jax.ShapeDtypeStruct((NW, 16), jnp.float32),
    scratch_types=[
        pltpu.VMEM((128,), jnp.float32),
        pltpu.VMEM((CHUNK,), jnp.int32),
        pltpu.VMEM((CHUNK,), jnp.int32),
        pltpu.VMEM((16,), jnp.float32),
        pltpu.SemaphoreType.DMA,
        pltpu.SemaphoreType.DMA,
        pltpu.SemaphoreType.DMA,
    ],
    compiler_params=pltpu.CompilerParams(needs_layout_passes=False),
)(_sc_body)


def kernel(input_batch, emb36a, emb36b, emb48):
    del emb36a, emb36b
    rs = pl.pallas_call(
        _rowsum_body,
        out_shape=jax.ShapeDtypeStruct((1, 128), jnp.float32),
    )(jnp.zeros((emb48.shape[1], 128), jnp.float32).at[:, : emb48.shape[0]].set(emb48.T))

    sc_flat = input_batch[TC_ROWS:].reshape(-1).astype(jnp.int32)
    parts = _sc_partials(sc_flat, rs.reshape(128))

    tc_part = pl.pallas_call(
        _tc_body,
        grid=(_TC_GRID,),
        in_specs=[
            pl.BlockSpec((TC_ROWS // _TC_GRID, COLS), lambda i: (i, 0)),
            pl.BlockSpec((1, 128), lambda i: (0, 0)),
        ],
        out_specs=pl.BlockSpec((1, 1), lambda i: (0, 0)),
        out_shape=jax.ShapeDtypeStruct((1, 1), jnp.float32),
    )(input_batch, rs)

    out = pl.pallas_call(
        _finish_body,
        out_shape=jax.ShapeDtypeStruct((1, 1), jnp.float32),
    )(parts, tc_part)
    return out.reshape(())

# --- scband reference (transcript-rebuilt; emitter-appended) ---
"""Pipeline reference for scband-my-model-61933428414211 (READ-ONLY COPY).

The authoritative reference and input builder live on the scoring server;
editing this copy changes nothing except your own understanding.
"""

import jax, jax.numpy as jnp
import numpy as np


def setup_inputs(seed: int = 0) -> dict:
    key = jax.random.key(seed)
    k0, k1, k2, k3 = jax.random.split(key, 4)
    input_batch = jax.random.randint(k0, (16384, 200), 0, 100, dtype=jnp.int64) if jax.config.jax_enable_x64 else jax.random.randint(k0, (16384, 200), 0, 100, dtype=jnp.int32)
    emb36a = jax.random.normal(k1, (100, 36), dtype=jnp.float32)
    emb36b = jax.random.normal(k2, (100, 36), dtype=jnp.float32)
    emb48 = jax.random.normal(k3, (100, 48), dtype=jnp.float32)
    return {"input_batch": input_batch, "emb36a": emb36a, "emb36b": emb36b, "emb48": emb48}


def reference(input_batch, emb36a, emb36b, emb48):
    res36a = jnp.take(emb36a, input_batch, axis=0)
    loss36a = jnp.sum(res36a) - 1.0
    res36b = jnp.take(emb36b, input_batch, axis=0)
    loss36b = jnp.sum(res36b) - 1.0
    res48 = jnp.take(emb48, input_batch, axis=0)
    loss48 = jnp.sum(res48) - 1.0
    return loss48

if __name__ == "__main__":
    import jax
    _d = setup_inputs()
    print(jax.jit(kernel)(*tuple(_d.values())))

</pallas_src>

<mosaic_0001>
#map = affine_map<(d0, d1) -> (0)>
#map1 = affine_map<(d0, d1) -> (0, 0)>
module attributes {stable_mosaic.version = 14 : i64} {
  func.func @_sc_body(%arg0: i32, %arg1: i32, %arg2: memref<1228800xi32, #tpu.memory_space<hbm>>, %arg3: memref<128xf32, #tpu.memory_space<hbm>>, %arg4: memref<32x16xf32, #tpu.memory_space<hbm>>, %arg5: memref<128xf32, #tpu.memory_space<vmem>>, %arg6: memref<12800xi32, #tpu.memory_space<vmem>>, %arg7: memref<12800xi32, #tpu.memory_space<vmem>>, %arg8: memref<16xf32, #tpu.memory_space<vmem>>, %arg9: memref<!tpu.dma_semaphore, #tpu.memory_space<semaphore_mem>>, %arg10: memref<!tpu.dma_semaphore, #tpu.memory_space<semaphore_mem>>, %arg11: memref<!tpu.dma_semaphore, #tpu.memory_space<semaphore_mem>>) attributes {dimension_semantics = [#tpu.dimension_semantics<core_parallel>, #tpu.dimension_semantics<subcore_parallel>], iteration_bounds = array<i64: 2, 16>, scalar_prefetch = 0 : i64, scratch_operands = 7 : i64, tpu.core_type = #tpu.core_type<sc_vector_subcore>, window_params = [{transform_indices = #map}, {transform_indices = #map}, {transform_indices = #map1}]} {
    %mul3A = arith.constant 2 : i32
    %mul3A_0 = arith.muli %arg1, %mul3A : i32
    %add3A = arith.addi %mul3A_0, %arg0 : i32
    %mul3A_1 = arith.constant 38400 : i32
    %mul3A_2 = arith.muli %add3A, %mul3A_1 : i32
    tpu.enqueue_dma source(%arg3 : memref<128xf32, #tpu.memory_space<hbm>>) target(%arg5 : memref<128xf32, #tpu.memory_space<vmem>>) target_semaphore(%arg9 : memref<!tpu.dma_semaphore, #tpu.memory_space<semaphore_mem>>)
    tpu.wait_dma2 semaphore(%arg9 : memref<!tpu.dma_semaphore, #tpu.memory_space<semaphore_mem>>) src(%arg3 : memref<128xf32, #tpu.memory_space<hbm>>) dst(%arg5 : memref<128xf32, #tpu.memory_space<vmem>>)
    %dma_start3A = tpu.memref_slice %arg2[%mul3A_2] : memref<1228800xi32, #tpu.memory_space<hbm>> -> memref<12800xi32, #tpu.memory_space<hbm>>
    %dma_start3A_3 = tpu.memref_slice %arg2[%mul3A_2] : memref<1228800xi32, #tpu.memory_space<hbm>> -> memref<12800xi32, #tpu.memory_space<hbm>>
    tpu.enqueue_dma source(%dma_start3A_3 : memref<12800xi32, #tpu.memory_space<hbm>>) target(%arg6 : memref<12800xi32, #tpu.memory_space<vmem>>) target_semaphore(%arg10 : memref<!tpu.dma_semaphore, #tpu.memory_space<semaphore_mem>>)
    %broadcast_in_dim3A = arith.constant 0.000000e+00 : f32
    %broadcast_in_dim3A_4 = vector.broadcast %broadcast_in_dim3A : f32 to vector<16xf32>
    %add3A_5 = arith.constant 12800 : i32
    %add3A_6 = arith.addi %mul3A_2, %add3A_5 : i32
    %dma_start3A_7 = tpu.memref_slice %arg2[%add3A_6] : memref<1228800xi32, #tpu.memory_space<hbm>> -> memref<12800xi32, #tpu.memory_space<hbm>>
    %dma_start3A_8 = tpu.memref_slice %arg2[%add3A_6] : memref<1228800xi32, #tpu.memory_space<hbm>> -> memref<12800xi32, #tpu.memory_space<hbm>>
    tpu.enqueue_dma source(%dma_start3A_8 : memref<12800xi32, #tpu.memory_space<hbm>>) target(%arg7 : memref<12800xi32, #tpu.memory_space<vmem>>) target_semaphore(%arg11 : memref<!tpu.dma_semaphore, #tpu.memory_space<semaphore_mem>>)
    %dma_wait3A = tpu.memref_slice %arg2[%mul3A_2] : memref<1228800xi32, #tpu.memory_space<hbm>> -> memref<12800xi32, #tpu.memory_space<hbm>>
    %dma_wait3A_9 = tpu.memref_slice %arg2[%mul3A_2] : memref<1228800xi32, #tpu.memory_space<hbm>> -> memref<12800xi32, #tpu.memory_space<hbm>>
    tpu.wait_dma2 semaphore(%arg10 : memref<!tpu.dma_semaphore, #tpu.memory_space<semaphore_mem>>) src(%dma_wait3A_9 : memref<12800xi32, #tpu.memory_space<hbm>>) dst(%arg6 : memref<12800xi32, #tpu.memory_space<vmem>>)
    %scan3A = arith.constant 0 : i32
    %scan3A_10 = arith.constant 200 : i32
    %scan3A_11 = arith.addi %scan3A, %scan3A_10 : i32
    %scan3A_12 = arith.constant 1 : i32
    %scan3A_13:4 = scf.for %scan3A_39 = %scan3A to %scan3A_11 step %scan3A_12 iter_args(%scan3A_40 = %broadcast_in_dim3A_4, %scan3A_41 = %broadcast_in_dim3A_4, %scan3A_42 = %broadcast_in_dim3A_4, %scan3A_43 = %broadcast_in_dim3A_4) -> (vector<16xf32>, vector<16xf32>, vector<16xf32>, vector<16xf32>)  : i32 {
      %mul3A_44 = arith.constant 64 : i32
      %mul3A_45 = arith.muli %scan3A_39, %mul3A_44 : i32
      %get3A = arith.index_cast %mul3A_45 : i32 to index
      %get3A_46 = tpu.vector_load %arg6[%get3A] {strides = array<i32>} : memref<12800xi32, #tpu.memory_space<vmem>>, vector<16xi32>,
      %gather3A = tpu.vector_load_idx %arg5[%get3A_46] : memref<128xf32, #tpu.memory_space<vmem>>[vector<16xi32>], vector<16xf32>,
      %add3A_47 = arith.constant 16 : i32
      %add3A_48 = arith.addi %mul3A_45, %add3A_47 : i32
      %get3A_49 = arith.index_cast %add3A_48 : i32 to index
      %get3A_50 = tpu.vector_load %arg6[%get3A_49] {strides = array<i32>} : memref<12800xi32, #tpu.memory_space<vmem>>, vector<16xi32>,
      %gather3A_51 = tpu.vector_load_idx %arg5[%get3A_50] : memref<128xf32, #tpu.memory_space<vmem>>[vector<16xi32>], vector<16xf32>,
      %add3A_52 = arith.constant 32 : i32
      %add3A_53 = arith.addi %mul3A_45, %add3A_52 : i32
      %get3A_54 = arith.index_cast %add3A_53 : i32 to index
      %get3A_55 = tpu.vector_load %arg6[%get3A_54] {strides = array<i32>} : memref<12800xi32, #tpu.memory_space<vmem>>, vector<16xi32>,
      %gather3A_56 = tpu.vector_load_idx %arg5[%get3A_55] : memref<128xf32, #tpu.memory_space<vmem>>[vector<16xi32>], vector<16xf32>,
      %add3A_57 = arith.constant 48 : i32
      %add3A_58 = arith.addi %mul3A_45, %add3A_57 : i32
      %get3A_59 = arith.index_cast %add3A_58 : i32 to index
      %get3A_60 = tpu.vector_load %arg6[%get3A_59] {strides = array<i32>} : memref<12800xi32, #tpu.memory_space<vmem>>, vector<16xi32>,
      %gather3A_61 = tpu.vector_load_idx %arg5[%get3A_60] : memref<128xf32, #tpu.memory_space<vmem>>[vector<16xi32>], vector<16xf32>,
      %add3A_62 = arith.addf %scan3A_40, %gather3A : vector<16xf32>
      %add3A_63 = arith.addf %scan3A_41, %gather3A_51 : vector<16xf32>
      %add3A_64 = arith.addf %scan3A_42, %gather3A_56 : vector<16xf32>
      %add3A_65 = arith.addf %scan3A_43, %gather3A_61 : vector<16xf32>
      scf.yield %add3A_62, %add3A_63, %add3A_64, %add3A_65 : vector<16xf32>, vector<16xf32>, vector<16xf32>, vector<16xf32>
    }
    %scan3A_14 = arith.constant 200 : i32
    %add3A_15 = arith.constant 25600 : i32
    %add3A_16 = arith.addi %mul3A_2, %add3A_15 : i32
    %dma_start3A_17 = tpu.memref_slice %arg2[%add3A_16] : memref<1228800xi32, #tpu.memory_space<hbm>> -> memref<12800xi32, #tpu.memory_space<hbm>>
    %dma_start3A_18 = tpu.memref_slice %arg2[%add3A_16] : memref<1228800xi32, #tpu.memory_space<hbm>> -> memref<12800xi32, #tpu.memory_space<hbm>>
    tpu.enqueue_dma source(%dma_start3A_18 : memref<12800xi32, #tpu.memory_space<hbm>>) target(%arg6 : memref<12800xi32, #tpu.memory_space<vmem>>) target_semaphore(%arg10 : memref<!tpu.dma_semaphore, #tpu.memory_space<semaphore_mem>>)
    %dma_wait3A_19 = tpu.memref_slice %arg2[%add3A_6] : memref<1228800xi32, #tpu.memory_space<hbm>> -> memref<12800xi32, #tpu.memory_space<hbm>>
    %dma_wait3A_20 = tpu.memref_slice %arg2[%add3A_6] : memref<1228800xi32, #tpu.memory_space<hbm>> -> memref<12800xi32, #tpu.memory_space<hbm>>
    tpu.wait_dma2 semaphore(%arg11 : memref<!tpu.dma_semaphore, #tpu.memory_space<semaphore_mem>>) src(%dma_wait3A_20 : memref<12800xi32, #tpu.memory_space<hbm>>) dst(%arg7 : memref<12800xi32, #tpu.memory_space<vmem>>)
    %scan3A_21 = arith.constant 0 : i32
    %scan3A_22 = arith.constant 200 : i32
    %scan3A_23 = arith.addi %scan3A_21, %scan3A_22 : i32
    %scan3A_24 = arith.constant 1 : i32
    %scan3A_25:4 = scf.for %scan3A_39 = %scan3A_21 to %scan3A_23 step %scan3A_24 iter_args(%scan3A_40 = %scan3A_13#0, %scan3A_41 = %scan3A_13#1, %scan3A_42 = %scan3A_13#2, %scan3A_43 = %scan3A_13#3) -> (vector<16xf32>, vector<16xf32>, vector<16xf32>, vector<16xf32>)  : i32 {
      %mul3A_44 = arith.constant 64 : i32
      %mul3A_45 = arith.muli %scan3A_39, %mul3A_44 : i32
      %get3A = arith.index_cast %mul3A_45 : i32 to index
      %get3A_46 = tpu.vector_load %arg7[%get3A] {strides = array<i32>} : memref<12800xi32, #tpu.memory_space<vmem>>, vector<16xi32>,
      %gather3A = tpu.vector_load_idx %arg5[%get3A_46] : memref<128xf32, #tpu.memory_space<vmem>>[vector<16xi32>], vector<16xf32>,
      %add3A_47 = arith.constant 16 : i32
      %add3A_48 = arith.addi %mul3A_45, %add3A_47 : i32
      %get3A_49 = arith.index_cast %add3A_48 : i32 to index
      %get3A_50 = tpu.vector_load %arg7[%get3A_49] {strides = array<i32>} : memref<12800xi32, #tpu.memory_space<vmem>>, vector<16xi32>,
      %gather3A_51 = tpu.vector_load_idx %arg5[%get3A_50] : memref<128xf32, #tpu.memory_space<vmem>>[vector<16xi32>], vector<16xf32>,
      %add3A_52 = arith.constant 32 : i32
      %add3A_53 = arith.addi %mul3A_45, %add3A_52 : i32
      %get3A_54 = arith.index_cast %add3A_53 : i32 to index
      %get3A_55 = tpu.vector_load %arg7[%get3A_54] {strides = array<i32>} : memref<12800xi32, #tpu.memory_space<vmem>>, vector<16xi32>,
      %gather3A_56 = tpu.vector_load_idx %arg5[%get3A_55] : memref<128xf32, #tpu.memory_space<vmem>>[vector<16xi32>], vector<16xf32>,
      %add3A_57 = arith.constant 48 : i32
      %add3A_58 = arith.addi %mul3A_45, %add3A_57 : i32
      %get3A_59 = arith.index_cast %add3A_58 : i32 to index
      %get3A_60 = tpu.vector_load %arg7[%get3A_59] {strides = array<i32>} : memref<12800xi32, #tpu.memory_space<vmem>>, vector<16xi32>,
      %gather3A_61 = tpu.vector_load_idx %arg5[%get3A_60] : memref<128xf32, #tpu.memory_space<vmem>>[vector<16xi32>], vector<16xf32>,
      %add3A_62 = arith.addf %scan3A_40, %gather3A : vector<16xf32>
      %add3A_63 = arith.addf %scan3A_41, %gather3A_51 : vector<16xf32>
      %add3A_64 = arith.addf %scan3A_42, %gather3A_56 : vector<16xf32>
      %add3A_65 = arith.addf %scan3A_43, %gather3A_61 : vector<16xf32>
      scf.yield %add3A_62, %add3A_63, %add3A_64, %add3A_65 : vector<16xf32>, vector<16xf32>, vector<16xf32>, vector<16xf32>
    }
    %scan3A_26 = arith.constant 200 : i32
    %dma_wait3A_27 = tpu.memref_slice %arg2[%add3A_16] : memref<1228800xi32, #tpu.memory_space<hbm>> -> memref<12800xi32, #tpu.memory_space<hbm>>
    %dma_wait3A_28 = tpu.memref_slice %arg2[%add3A_16] : memref<1228800xi32, #tpu.memory_space<hbm>> -> memref<12800xi32, #tpu.memory_space<hbm>>
    tpu.wait_dma2 semaphore(%arg10 : memref<!tpu.dma_semaphore, #tpu.memory_space<semaphore_mem>>) src(%dma_wait3A_28 : memref<12800xi32, #tpu.memory_space<hbm>>) dst(%arg6 : memref<12800xi32, #tpu.memory_space<vmem>>)
    %scan3A_29 = arith.constant 0 : i32
    %scan3A_30 = arith.constant 200 : i32
    %scan3A_31 = arith.addi %scan3A_29, %scan3A_30 : i32
    %scan3A_32 = arith.constant 1 : i32
    %scan3A_33:4 = scf.for %scan3A_39 = %scan3A_29 to %scan3A_31 step %scan3A_32 iter_args(%scan3A_40 = %scan3A_25#0, %scan3A_41 = %scan3A_25#1, %scan3A_42 = %scan3A_25#2, %scan3A_43 = %scan3A_25#3) -> (vector<16xf32>, vector<16xf32>, vector<16xf32>, vector<16xf32>)  : i32 {
      %mul3A_44 = arith.constant 64 : i32
      %mul3A_45 = arith.muli %scan3A_39, %mul3A_44 : i32
      %get3A = arith.index_cast %mul3A_45 : i32 to index
      %get3A_46 = tpu.vector_load %arg6[%get3A] {strides = array<i32>} : memref<12800xi32, #tpu.memory_space<vmem>>, vector<16xi32>,
      %gather3A = tpu.vector_load_idx %arg5[%get3A_46] : memref<128xf32, #tpu.memory_space<vmem>>[vector<16xi32>], vector<16xf32>,
      %add3A_47 = arith.constant 16 : i32
      %add3A_48 = arith.addi %mul3A_45, %add3A_47 : i32
      %get3A_49 = arith.index_cast %add3A_48 : i32 to index
      %get3A_50 = tpu.vector_load %arg6[%get3A_49] {strides = array<i32>} : memref<12800xi32, #tpu.memory_space<vmem>>, vector<16xi32>,
      %gather3A_51 = tpu.vector_load_idx %arg5[%get3A_50] : memref<128xf32, #tpu.memory_space<vmem>>[vector<16xi32>], vector<16xf32>,
      %add3A_52 = arith.constant 32 : i32
      %add3A_53 = arith.addi %mul3A_45, %add3A_52 : i32
      %get3A_54 = arith.index_cast %add3A_53 : i32 to index
      %get3A_55 = tpu.vector_load %arg6[%get3A_54] {strides = array<i32>} : memref<12800xi32, #tpu.memory_space<vmem>>, vector<16xi32>,
      %gather3A_56 = tpu.vector_load_idx %arg5[%get3A_55] : memref<128xf32, #tpu.memory_space<vmem>>[vector<16xi32>], vector<16xf32>,
      %add3A_57 = arith.constant 48 : i32
      %add3A_58 = arith.addi %mul3A_45, %add3A_57 : i32
      %get3A_59 = arith.index_cast %add3A_58 : i32 to index
      %get3A_60 = tpu.vector_load %arg6[%get3A_59] {strides = array<i32>} : memref<12800xi32, #tpu.memory_space<vmem>>, vector<16xi32>,
      %gather3A_61 = tpu.vector_load_idx %arg5[%get3A_60] : memref<128xf32, #tpu.memory_space<vmem>>[vector<16xi32>], vector<16xf32>,
      %add3A_62 = arith.addf %scan3A_40, %gather3A : vector<16xf32>
      %add3A_63 = arith.addf %scan3A_41, %gather3A_51 : vector<16xf32>
      %add3A_64 = arith.addf %scan3A_42, %gather3A_56 : vector<16xf32>
      %add3A_65 = arith.addf %scan3A_43, %gather3A_61 : vector<16xf32>
      scf.yield %add3A_62, %add3A_63, %add3A_64, %add3A_65 : vector<16xf32>, vector<16xf32>, vector<16xf32>, vector<16xf32>
    }
    %scan3A_34 = arith.constant 200 : i32
    %add3A_35 = arith.addf %scan3A_33#0, %scan3A_33#1 : vector<16xf32>
    %add3A_36 = arith.addf %add3A_35, %scan3A_33#2 : vector<16xf32>
    %add3A_37 = arith.addf %add3A_36, %scan3A_33#3 : vector<16xf32>
    %swap3A = arith.constant 0 : index
    %swap3A_38 = tpu.vector_load %arg8[%swap3A] {strides = array<i32>} : memref<16xf32, #tpu.memory_space<vmem>>, vector<16xf32>,
    tpu.vector_store %arg8[%swap3A], %add3A_37 {strides = array<i32>} : memref<16xf32, #tpu.memory_space<vmem>>, vector<16xf32>,
    "tpu.region"() ({
      %run_scoped3A = tpu.sem_alloc : memref<!tpu.dma_semaphore, #tpu.memory_space<semaphore_mem>>
      %dma_start3A_39 = arith.constant 0 : i32
      %dma_start3A_40 = tpu.memref_slice %arg4[%add3A, %dma_start3A_39] : memref<32x16xf32, #tpu.memory_space<hbm>> -> memref<1x16xf32, #tpu.memory_space<hbm>>
      %dma_start3A_41 = tpu.memref_squeeze %dma_start3A_40 : memref<1x16xf32, #tpu.memory_space<hbm>> -> memref<16xf32, #tpu.memory_space<hbm>>
      %dma_start3A_42 = arith.constant 0 : i32
      %dma_start3A_43 = tpu.memref_slice %arg4[%add3A, %dma_start3A_42] : memref<32x16xf32, #tpu.memory_space<hbm>> -> memref<1x16xf32, #tpu.memory_space<hbm>>
      %dma_start3A_44 = tpu.memref_squeeze %dma_start3A_43 : memref<1x16xf32, #tpu.memory_space<hbm>> -> memref<16xf32, #tpu.memory_space<hbm>>
      tpu.enqueue_dma source(%arg8 : memref<16xf32, #tpu.memory_space<vmem>>) target(%dma_start3A_44 : memref<16xf32, #tpu.memory_space<hbm>>) target_semaphore(%run_scoped3A : memref<!tpu.dma_semaphore, #tpu.memory_space<semaphore_mem>>)
      %dma_wait3A_45 = arith.constant 0 : i32
      %dma_wait3A_46 = tpu.memref_slice %arg4[%add3A, %dma_wait3A_45] : memref<32x16xf32, #tpu.memory_space<hbm>> -> memref<1x16xf32, #tpu.memory_space<hbm>>
      %dma_wait3A_47 = tpu.memref_squeeze %dma_wait3A_46 : memref<1x16xf32, #tpu.memory_space<hbm>> -> memref<16xf32, #tpu.memory_space<hbm>>
      %dma_wait3A_48 = arith.constant 0 : i32
      %dma_wait3A_49 = tpu.memref_slice %arg4[%add3A, %dma_wait3A_48] : memref<32x16xf32, #tpu.memory_space<hbm>> -> memref<1x16xf32, #tpu.memory_space<hbm>>
      %dma_wait3A_50 = tpu.memref_squeeze %dma_wait3A_49 : memref<1x16xf32, #tpu.memory_space<hbm>> -> memref<16xf32, #tpu.memory_space<hbm>>
      tpu.wait_dma2 semaphore(%run_scoped3A : memref<!tpu.dma_semaphore, #tpu.memory_space<semaphore_mem>>) src(%arg8 : memref<16xf32, #tpu.memory_space<vmem>>) dst(%dma_wait3A_50 : memref<16xf32, #tpu.memory_space<hbm>>)
      tpu.yield
    }) : () -> ()
    return
  }
}

module attributes {stable_mosaic.version = 14 : i64} {
  func.func @_rowsum_body(%arg0: memref<48x128xf32, #tpu.memory_space<vmem>>, %arg1: memref<1x128xf32, #tpu.memory_space<vmem>>) attributes {dimension_semantics = [], scalar_prefetch = 0 : i64, scratch_operands = 0 : i64, tpu.core_type = #tpu.core_type<tc>} {
    %broadcast_in_dim3A = arith.constant 1.000000e+00 : f32
    %broadcast_in_dim3A_0 = vector.broadcast %broadcast_in_dim3A : f32 to vector<1x48xf32>
    %get3A = arith.constant 0 : index
    %get3A_1 = arith.constant 0 : index
    %get3A_2 = vector.load %arg0[%get3A, %get3A_1] : memref<48x128xf32, #tpu.memory_space<vmem>>, vector<48x128xf32>
    %dot_general3A = arith.constant dense<0.000000e+00> : vector<1x128xf32>
    %dot_general3A_3 = tpu.matmul %broadcast_in_dim3A_0, %get3A_2, %dot_general3A {dimension_numbers = #tpu.dot_dimension_numbers<[1], [0], [0], [1], [0, 0, 1, 1], [], []>, precision = #tpu.contract_precision<fp32>, transpose_lhs_hint = false} : vector<1x48xf32>, vector<48x128xf32>, vector<1x128xf32> -> vector<1x128xf32>
    %swap3A = arith.constant 0 : index
    %swap3A_4 = arith.constant 0 : index
    %swap3A_5 = vector.load %arg1[%swap3A, %swap3A_4] : memref<1x128xf32, #tpu.memory_space<vmem>>, vector<1x128xf32>
    tpu.vector_store %arg1[%swap3A, %swap3A_4], %dot_general3A_3 {strides = array<i32>} : memref<1x128xf32, #tpu.memory_space<vmem>>, vector<1x128xf32>,
    return
  }
}

module attributes {stable_mosaic.version = 14 : i64} {
  func.func @_tc_body(%arg0: i32, %arg1: memref<2560x200xi32, #tpu.memory_space<vmem>>, %arg2: memref<1x128xf32, #tpu.memory_space<vmem>>, %arg3: memref<1x1xf32, #tpu.memory_space<vmem>>) attributes {dimension_semantics = [#tpu.dimension_semantics<arbitrary>], iteration_bounds = array<i64: 4>, scalar_prefetch = 0 : i64, scratch_operands = 0 : i64, tpu.core_type = #tpu.core_type<tc>, window_params = [{transform_indices = @transform_0, window_bounds = array<i64: 2560, 200>}, {pipeline_mode = #tpu.pipeline_mode<synchronous>, transform_indices = @transform_1, window_bounds = array<i64: 1, 128>}, {pipeline_mode = #tpu.pipeline_mode<synchronous>, transform_indices = @transform_2, window_bounds = array<i64: 1, 1>}]} {
    %get3A = arith.constant 0 : index
    %get3A_0 = arith.constant 0 : index
    %get3A_1 = vector.load %arg2[%get3A, %get3A_0] : memref<1x128xf32, #tpu.memory_space<vmem>>, vector<1x128xf32>
    %get3A_2 = arith.constant 0 : index
    %get3A_3 = arith.constant 0 : index
    %get3A_4 = vector.load %arg1[%get3A_2, %get3A_3] : memref<2560x200xi32, #tpu.memory_space<vmem>>, vector<2560x200xi32>
    %broadcast_in_dim3A = vector.shape_cast %get3A_1 : vector<1x128xf32> to vector<1x128xf32>
    %broadcast_in_dim3A_5 = vector.broadcast %broadcast_in_dim3A : vector<1x128xf32> to vector<2560x128xf32>
    %lt3A = arith.constant 0 : i32
    %lt3A_6 = vector.broadcast %lt3A : i32 to vector<2560x200xi32>
    %lt3A_7 = arith.cmpi slt, %get3A_4, %lt3A_6 : vector<2560x200xi32>
    %add3A = arith.constant 128 : i32
    %add3A_8 = vector.broadcast %add3A : i32 to vector<2560x200xi32>
    %add3A_9 = arith.addi %get3A_4, %add3A_8 : vector<2560x200xi32>
    %select_n3A = arith.select %lt3A_7, %add3A_9, %get3A_4 : vector<2560x200xi1>, vector<2560x200xi32>
    %reshape3A = vector.shape_cast %select_n3A : vector<2560x200xi32> to vector<2560x200x1xi32>
    %gather3A = vector.shape_cast %reshape3A : vector<2560x200x1xi32> to vector<2560x200xi32>
    %gather3A_10 = tpu.dynamic_gather %broadcast_in_dim3A_5[%gather3A] in [1] : vector<2560x128xf32>, vector<2560x200xi32> -> vector<2560x200xf32>
    %reduce_sum3A = vector.shape_cast %gather3A_10 : vector<2560x200xf32> to vector<1x2560x200xf32>
    %reduce_sum3A_11 = arith.constant dense<0.000000e+00> : vector<1xf32>
    %reduce_sum3A_12 = vector.multi_reduction <add>, %reduce_sum3A, %reduce_sum3A_11 [1, 2] : vector<1x2560x200xf32> to vector<1xf32>
    %reduce_sum3A_13 = vector.shape_cast %reduce_sum3A_12 : vector<1xf32> to vector<1x1x1xf32>
    %reduce_sum3A_14 = vector.extract %reduce_sum3A_13[0, 0, 0] : f32 from vector<1x1x1xf32>
    %broadcast_in_dim3A_15 = vector.broadcast %reduce_sum3A_14 : f32 to vector<1x1xf32>
    %eq3A = arith.constant 0 : i32
    %eq3A_16 = arith.cmpi eq, %arg0, %eq3A : i32
    %convert_element_type3A = arith.extui %eq3A_16 : i1 to i32
    %cond3A = arith.constant 0 : i32
    %cond3A_17 = arith.cmpi ne, %convert_element_type3A, %cond3A : i32
    scf.if %cond3A_17 {
      %sub3A = arith.constant 1.000000e+00 : f32
      %sub3A_22 = vector.broadcast %sub3A : f32 to vector<1x1xf32>
      %sub3A_23 = arith.subf %broadcast_in_dim3A_15, %sub3A_22 : vector<1x1xf32>
      %swap3A = arith.constant 0 : index
      %swap3A_24 = arith.constant 0 : index
      %swap3A_25 = vector.load %arg3[%swap3A, %swap3A_24] : memref<1x1xf32, #tpu.memory_space<vmem>>, vector<1x1xf32>
      tpu.vector_store %arg3[%swap3A, %swap3A_24], %sub3A_23 {strides = array<i32>} : memref<1x1xf32, #tpu.memory_space<vmem>>, vector<1x1xf32>,
    } else {
    }
    %gt3A = arith.constant 0 : i32
    %gt3A_18 = arith.cmpi sgt, %arg0, %gt3A : i32
    %convert_element_type3A_19 = arith.extui %gt3A_18 : i1 to i32
    %cond3A_20 = arith.constant 0 : i32
    %cond3A_21 = arith.cmpi ne, %convert_element_type3A_19, %cond3A_20 : i32
    scf.if %cond3A_21 {
      %get3A_22 = arith.constant 0 : index
      %get3A_23 = arith.constant 0 : index
      %get3A_24 = vector.load %arg3[%get3A_22, %get3A_23] : memref<1x1xf32, #tpu.memory_space<vmem>>, vector<1x1xf32>
      %add3A_25 = arith.addf %get3A_24, %broadcast_in_dim3A_15 : vector<1x1xf32>
      %swap3A = arith.constant 0 : index
      %swap3A_26 = arith.constant 0 : index
      %swap3A_27 = vector.load %arg3[%swap3A, %swap3A_26] : memref<1x1xf32, #tpu.memory_space<vmem>>, vector<1x1xf32>
      tpu.vector_store %arg3[%swap3A, %swap3A_26], %add3A_25 {strides = array<i32>} : memref<1x1xf32, #tpu.memory_space<vmem>>, vector<1x1xf32>,
    } else {
    }
    return
  }
  func.func @transform_0(%arg0: i32) -> (i32, i32) {
    %c0_i32 = arith.constant 0 : i32
    %c0_i32_0 = arith.constant 0 : i32
    return %arg0, %c0_i32 : i32, i32
  }
  func.func @transform_1(%arg0: i32) -> (i32, i32) {
    %c0_i32 = arith.constant 0 : i32
    %c0_i32_0 = arith.constant 0 : i32
    %c0_i32_1 = arith.constant 0 : i32
    return %c0_i32, %c0_i32_0 : i32, i32
  }
  func.func @transform_2(%arg0: i32) -> (i32, i32) {
    %c0_i32 = arith.constant 0 : i32
    %c0_i32_0 = arith.constant 0 : i32
    %c0_i32_1 = arith.constant 0 : i32
    return %c0_i32, %c0_i32_0 : i32, i32
  }
}

module attributes {stable_mosaic.version = 14 : i64} {
  func.func @_finish_body(%arg0: memref<32x16xf32, #tpu.memory_space<vmem>>, %arg1: memref<1x1xf32, #tpu.memory_space<vmem>>, %arg2: memref<1x1xf32, #tpu.memory_space<vmem>>) attributes {dimension_semantics = [], scalar_prefetch = 0 : i64, scratch_operands = 0 : i64, tpu.core_type = #tpu.core_type<tc>} {
    %get3A = arith.constant 0 : index
    %get3A_0 = arith.constant 0 : index
    %get3A_1 = vector.load %arg0[%get3A, %get3A_0] : memref<32x16xf32, #tpu.memory_space<vmem>>, vector<32x16xf32>
    %reduce_sum3A = vector.shape_cast %get3A_1 : vector<32x16xf32> to vector<1x32x16xf32>
    %reduce_sum3A_2 = arith.constant dense<0.000000e+00> : vector<1xf32>
    %reduce_sum3A_3 = vector.multi_reduction <add>, %reduce_sum3A, %reduce_sum3A_2 [1, 2] : vector<1x32x16xf32> to vector<1xf32>
    %reduce_sum3A_4 = vector.shape_cast %reduce_sum3A_3 : vector<1xf32> to vector<1x1x1xf32>
    %reduce_sum3A_5 = vector.extract %reduce_sum3A_4[0, 0, 0] : f32 from vector<1x1x1xf32>
    %broadcast_in_dim3A = vector.broadcast %reduce_sum3A_5 : f32 to vector<1x1xf32>
    %get3A_6 = arith.constant 0 : index
    %get3A_7 = arith.constant 0 : index
    %get3A_8 = vector.load %arg1[%get3A_6, %get3A_7] : memref<1x1xf32, #tpu.memory_space<vmem>>, vector<1x1xf32>
    %add3A = arith.addf %broadcast_in_dim3A, %get3A_8 : vector<1x1xf32>
    %swap3A = arith.constant 0 : index
    %swap3A_9 = arith.constant 0 : index
    %swap3A_10 = vector.load %arg2[%swap3A, %swap3A_9] : memref<1x1xf32, #tpu.memory_space<vmem>>, vector<1x1xf32>
    tpu.vector_store %arg2[%swap3A, %swap3A_9], %add3A {strides = array<i32>} : memref<1x1xf32, #tpu.memory_space<vmem>>, vector<1x1xf32>,
    return
  }
}

</mosaic_0001>

<sc_bundles>
// kernel: kernel.6.cloned.1.call-start
scs
__scs_entry_jumppad:
0x0: {  	(pc) =	sbr.rel $0x88, $3  }
0x1: {  	(tag) =	ssettag $0x0;
	lr =	simm.s32 $0x1  }
0x2: {  	[smem:$0x3F9F] =	sst lr;
	_ =	strace $0xD0000000  }
0x3: {  	_ = 	snop  }
0x4: {  	_ = 	snop  }
0x5: {  	_ = 	snop  }
0x6: {  	_ = 	snop  }
0x7: {  	_ = 	snop  }
__scs_overlays_trampoline_lowered:
0x8: {  	[smem:$0x3FAE] =	sst s0  }
0x9: {  	[smem:$0x3FAF] =	sst s1  }
0xa: {  	[smem:$0x3FB0] =	sst s2  }
0xb: {  	[smem:$0x3FB1] =	sst s3  }
0xc: {  	[smem:$0x3FB2] =	sst s4  }
0xd: {  	[smem:$0x3FB3] =	sst s5  }
0xe: {  	[smem:$0x3FB4] =	sst s6  }
0xf: {  	[smem:$0x3FB5] =	sst s7  }
0x10: {  	[smem:$0x3FB6] =	sst s8  }
0x11: {  	[smem:$0x3FB7] =	sst s9;
	s0 =	simm.s32 @!p0 $0x0  }
0x12: {  	s1 =	sld [smem:$0x3F9D];
	s0 =	simm.s32 @p0 $0x1  }
0x13: {  	[smem:$0x3FB8] =	sst s0;
	s0 =	simm.s32 @!p1 $0x0  }
0x14: {  	s2 =	sld [smem:$0x3F9C];
	s0 =	simm.s32 @p1 $0x1  }
0x15: {  	[smem:$0x3FB9] =	sst s0;
	s0 =	simm.s32 @!p2 $0x0  }
0x16: {  	s3 =	sld [smem:$0x3FDB];
	s0 =	simm.s32 @p2 $0x1  }
0x17: {  	s4 =	simm.s32 $0x1BF5;
	[smem:$0x3FBB] =	sst s0  }
0x18: {  	s0 =	sld [smem:$0x3F9E];
	_ =	swait.ge [sflag:s4], $0x0  }
0x19: {  	s7 =	sld [smem:$0x3F9F]  }
0x1a: {  	s8 =	sadd.s32 $0xFFFFE003, lr  }
0x1b: {  	s9 =	sadd.s32 $0xFFFFFEF7, lr;
	s5 =	simm.s32 $0xFFFFFFFF;
	p2 =	slt.u32 s8, $0xFFFFF086  }
0x1c: {  	p1 =	slt.u32 s9, $0xF7A;
	s5 =	simm.s32 @!p2 $0x0  }
0x1d: {  	s5 =	simm.s32 @p1 $0x1;
	p0 =	seq.s32 s7, s2  }
0x1e: {  	s7 =	smul.u32 @!p0 $0xF7A, s2;
	p2 =	seq.s32 @!p0 s5, $0x0  }
0x1f: {  	s9 =	smul.u32 $0xF7A, s1;
	s8 =	simm.s32 @!p0 $0x1BF5;
	p2 =	por !p2, p0  }
0x20: {  	[sflag:s8] =	ssyncset.s32 @!p0 $0xFFFFF086;
	s6 =	sadd.s32 @!p0 s3, s7;
	s7 =	simm.s32 @!p0 $0x108  }
0x21: {  	s3 =	sadd.s32 s3, s9;
	s6 =	sadd.s32 @!p0 $0x88, s6;
	s7 =	simm.s32 @p2 $0x1082  }
0x22: {  	[simem:s7], [sflag:s8] =	dma.local @!p0 [hbm:s6], $0xF7A  }
0x23: {  	s9 =	sor.u32 $0xD0000000, s2;
	s6 =	simm.s32 $0x108;
	_ =	swait.ge @!p0 [sflag:s8], $0x0  }
0x24: {  	s3 =	sadd.s32 $0x88, s3;
	s6 =	simm.s32 @!p1 $0x1082;
	[sflag:s4] =	ssyncset.s32 $0xFFFFF086  }
0x25: {  	[simem:s6], [sflag:s4] =	dma.local [hbm:s3], $0xF7A  }
0x26: {  	[smem:$0x3F9F] =	sst s1;
	(tag) =	ssettag s2;
	_ =	strace s9  }
0x27: {  	s1 =	sld [smem:$0x3FAF]  }
0x28: {  	s2 =	sld [smem:$0x3FB0]  }
0x29: {  	s4 =	sld [smem:$0x3FB2]  }
0x2a: {  	p0 =	seq.s32 s5, $0x0;
	s5 =	sld [smem:$0x3FB3]  }
0x2b: {  	s6 =	sld [smem:$0x3FB4]  }
0x2c: {  	s7 =	sld [smem:$0x3FB5]  }
0x2d: {  	s3 =	simm.s32 $0x108;
	s8 =	sld [smem:$0x3FB6]  }
0x2e: {  	s3 =	simm.s32 @!p0 $0x1082;
	s9 =	sld [smem:$0x3FB7]  }
0x2f: {  	lr =	sadd.s32 s0, s3;
	s0 =	sld [smem:$0x3FAE]  }
0x30: {  	s3 =	sld [smem:$0x3FB1]  }
0x31: {  	[smem:$0x3FBA] =	sst s10  }
0x32: {  	s10 =	sld [smem:$0x3FB8];
	_ =	sdelay $0x3  }
0x33: {  	p0 =	seq.s32 s10, $0x1;
	s10 =	sld [smem:$0x3FBA];
	_ =	sdelay $0x3  }
0x34: {  	[smem:$0x3FBA] =	sst s10  }
0x35: {  	s10 =	sld [smem:$0x3FB9];
	_ =	sdelay $0x3  }
0x36: {  	p1 =	seq.s32 s10, $0x1;
	s10 =	sld [smem:$0x3FBA];
	_ =	sdelay $0x3  }
0x37: {  	[smem:$0x3FBA] =	sst s10  }
0x38: {  	s10 =	sld [smem:$0x3FBB]  }
0x39: {  	_ = 	snop;
	(pc) =	sbr.ind lr, $3  }
0x3a: {  	_ = 	snop  }
0x3b: {  	_ = 	snop  }
0x3c: {  	p2 =	seq.s32 s10, $0x1;
	s10 =	sld [smem:$0x3FBA]  }
0x3d: {  	_ =	shalt  }
0x3e: {  	_ =	shalt  }
0x3f: {  	_ =	shalt  }
0x40: {  	_ =	shalt  }
0x41: {  	_ =	shalt  }
0x42: {  	_ =	shalt  }
0x43: {  	_ =	shalt  }
0x44: {  	_ =	shalt  }
0x45: {  	_ =	shalt  }
0x46: {  	_ =	shalt  }
0x47: {  	_ =	shalt  }
0x48: {  	_ =	shalt  }
0x49: {  	_ =	shalt  }
0x4a: {  	_ =	shalt  }
0x4b: {  	_ =	shalt  }
0x4c: {  	_ =	shalt  }
0x4d: {  	_ =	shalt  }
0x4e: {  	_ =	shalt  }
0x4f: {  	_ =	shalt  }
0x50: {  	_ =	shalt  }
0x51: {  	_ =	shalt  }
0x52: {  	_ =	shalt  }
0x53: {  	_ =	shalt  }
0x54: {  	_ =	shalt  }
0x55: {  	_ =	shalt  }
0x56: {  	_ =	shalt  }
0x57: {  	_ =	shalt  }
0x58: {  	_ =	shalt  }
0x59: {  	_ =	shalt  }
0x5a: {  	_ =	shalt  }
0x5b: {  	_ =	shalt  }
0x5c: {  	_ =	shalt  }
0x5d: {  	_ =	shalt  }
0x5e: {  	_ =	shalt  }
0x5f: {  	_ =	shalt  }
0x60: {  	_ =	shalt  }
0x61: {  	_ =	shalt  }
0x62: {  	_ =	shalt  }
0x63: {  	_ =	shalt  }
0x64: {  	_ =	shalt  }
0x65: {  	_ =	shalt  }
0x66: {  	_ =	shalt  }
0x67: {  	_ =	shalt  }
0x68: {  	_ =	shalt  }
0x69: {  	_ =	shalt  }
0x6a: {  	_ =	shalt  }
0x6b: {  	_ =	shalt  }
0x6c: {  	_ =	shalt  }
0x6d: {  	_ =	shalt  }
0x6e: {  	_ =	shalt  }
0x6f: {  	_ =	shalt  }
0x70: {  	_ =	shalt  }
0x71: {  	_ =	shalt  }
0x72: {  	_ =	shalt  }
0x73: {  	_ =	shalt  }
0x74: {  	_ =	shalt  }
0x75: {  	_ =	shalt  }
0x76: {  	_ =	shalt  }
0x77: {  	_ =	shalt  }
0x78: {  	_ =	shalt  }
0x79: {  	_ =	shalt  }
0x7a: {  	_ =	shalt  }
0x7b: {  	_ =	shalt  }
0x7c: {  	_ =	shalt  }
0x7d: {  	_ =	shalt  }
0x7e: {  	_ =	shalt  }
0x7f: {  	_ =	shalt  }
0x80: {  	_ =	shalt  }
0x81: {  	_ =	shalt  }
0x82: {  	_ =	shalt  }
0x83: {  	_ =	shalt  }
0x84: {  	_ =	shalt  }
0x85: {  	_ =	shalt  }
0x86: {  	_ =	shalt  }
0x87: {  	_ =	shalt  }
.Lfunc_end0:
.L_simem_size_0:
called_computation_lowered:
.L_overlay_start_0:
0x88: {  	s2 =	sld [smem:$0x3FD9]  }
0x89: {  	s3 =	sld [smem:$0x3FFE];
	_ =	sdelay $0x1  }
0x8a: {  	s1 =	srdreg.scid  }
0x8b: {  	s0 =	sand.u32 $0x1, s1  }
0x8c: {  	s17 =	sshll.u32 s0, $0xA;
	s2 =	sadd.s32 s3, s2  }
0x8d: {  	s2 =	sadd.s32 s2, s17  }
0x8e: {  	[smem:$0x3FC6] =	sst s2  }
0x8f: {  	_ = 	snop  }
0x90: {  	s2 =	sld [smem:$0x3FD0];
	(tm) =	ssettm $0x1  }
0x91: {  	s18 =	sld [smem:$0x3FFB];
	_ =	sdelay $0x3  }
0x92: {  	_ =	strace s18  }
0x93: {  	s3 =	sld [smem:$0x3FFC];
	_ =	sdelay $0x3  }
0x94: {  	_ =	strace s3  }
0x95: {  	s3 =	sld [smem:$0x3FFD];
	_ =	sdelay $0x3  }
0x96: {  	_ =	strace s3  }
0x97: {  	_ =	strace $0x8FFFFFFF  }
0x98: {  	s19 =	sld [smem:$0x3FDB];
	_ =	sdelay $0x1  }
0x99: {  	s4 =	simm.s32 $_scs_section_size  }
0x9a: {  	s5 =	simm.s32 $_size__tile_overlayer_lowered;
	s6 =	simm.s32 $_tile_overlayer_lowered  }
0x9b: {  	s22 =	simm.s32 $0x1BFF;
	s21 =	sshll.u32 s6, $0x1;
	s3 =	sadd.s32 s4, s19  }
0x9c: {  	s7 =	simm.s32 $0x0;
	s20 =	sshll.u32 s5, $0x1;
	s5 =	sadd.s32 s21, s3  }
0x9d: {  	[timem:s7], [sflag:s22] =	dma.local [hbm:s5], s20  }
0x9e: {  	_ =	swait.ge [sflag:s22], s20  }
0x9f: {  	s4 =	ssub.s32 $0x0, s20;
	[sflag:s22] =	ssyncset.done $0x0  }
0xa0: {  	[sflag:s22] =	ssyncadd.s32 s4;
	_ =	sdelay $0x1  }
0xa1: {  	s23 =	simm.s32 $0x1B8B  }
0xa2: {  	_ =	swait.ge [sflag:s23], $0x1  }
0xa3: {  	[sflag:s23] =	ssyncset.done $0x0  }
0xa4: {  	s25 =	simm.s32 $0x1B8E;
	s24 =	sld [smem:$0x3FFE];
	[sflag:s23] =	ssyncadd.s32 $0xFFFFFFFF  }
0xa5: {  	s26 =	simm.s32 $execute0_lowered;
	[smem:$0x3FD2] =	sst s25  }
0xa6: {  	s5 =	sshll.u32 s26, $0x1;
	_ =	strace $0x80000046;
	[dreg:$0x1] =	wrdreg $0xFFFFFFFF  }
0xa7: {  	s28 =	simm.s32 $_size_execute0_lowered;
	s3 =	sadd.s32 s3, s5;
	[dreg:$0x0] =	wrdreg $0x0  }
0xa8: {  	s5 =	sshll.u32 s28, $0x1;
	[dreg:$0x2] =	wrdreg s3  }
0xa9: {  	[dreg:$0x3] =	wrdreg s5  }
0xaa: {  	[dreg:$0x4] =	wrdreg $0xC0  }
0xab: {  	_ =	task [dreg:s7], $0x5FFFF  }
0xac: {  	[dreg:$0x1] =	wrdreg $0xFFFFFFFF  }
0xad: {  	[dreg:$0x0] =	wrdreg $0x60  }
0xae: {  	[dreg:$0x2] =	wrdreg s24  }
0xaf: {  	[dreg:$0x3] =	wrdreg s2  }
0xb0: {  	[dreg:$0x4] =	wrdreg $0x9  }
0xb1: {  	_ =	task.clear_ibuf [dreg:s7], $0x5FFFF;
	_ =	strace $0x90000046  }
0xb2: {  	s29 =	simm.s32 $0x9;
	_ =	strace $0x80000048  }
0xb3: {  	_ =	swait.ge [sflag:s29], $0x1  }
0xb4: {  	[sflag:s29] =	ssyncadd.s32 $0xFFFFFFFF  }
0xb5: {  	_ =	strace $0x90000048  }
0xb6: {  	_ =	sfence  }
0xb7: {  	s30 =	sld [smem:$0x0];
	_ =	sdelay $0x2  }
0xb8: {  	s31 =	sshll.u32 s1, $0xD;
	s1 =	sshrl.u32 s1, $0x2  }
0xb9: {  	s3 =	sand.u32 $0x4000, s31;
	s1 =	sadd.s32 s1, s30  }
0xba: {  	s0 =	sor.u32 s3, s0;
	s1 =	sshll.u32 s1, $0x11  }
0xbb: {  	s0 =	sor.u32 s1, s0  }
0xbc: {  	s0 =	sadd.s32 $0x8F2B, s0  }
0xbd: {  	[sflag:s0] =	ssyncadd.remote.s32 $0x1  }
0xbe: {  	_ =	sfence.sel $0xFFFF  }
0xbf: {  	[dreg:$0x0] =	wrdreg $0xFFFFFFFF;
	(pc) =	sbr.abs _section_cstart, $3  }
0xc0: {  	[dreg:$0x1] =	wrdreg $0xFFFFFFFF  }
0xc1: {  	_ =	task.clear_ibuf [dreg:s7], $0x2FFFF;
	_ =	strace $0x9FFFFFFF  }
0xc2: {  	(tm) =	ssettm $0x7FFFFFFF  }
0xc3: {  	_ =	shalt  }
tec
execute0_lowered:
.L_overlay_start_1:
0x0: {  	(tag) =	ssettag $0x1  }
0x1: {  	s1 =	srdreg.scid;
	s4 =	rddreg [dreg:$0x0]  }
0x2: {  	s0 =	stileid.u32;
	s2 =	rddreg [dreg:$0x1];
	s3 =	simm.s32 $0x0  }
0x3: {  	s10 =	simm.s32 $0x80;
	s11 =	simm.s32 $0x3280;
	s12 =	simm.s32 $0x2  }
0x4: {  	s13 =	simm.s32 $0x3;
	s5 =	sand.u32 $0x1, s1;
	s31 =	sshll.u32 s0, $0x1  }
0x5: {  	s14 =	simm.s32 $0x6480;
	s15 =	simm.s32 $0x4;
	s6 =	sor.u32 s5, s31  }
0x6: {  	s16 =	simm.s32 $0x0;
	[smem:$0x7FF] =	sst s3;
	s7 =	smul.u32 $0x9600, s6  }
0x7: {  	s1 =	rddreg [dreg:$0x2];
	_ =	strace $0x80000047;
	s5 =	ssub.s32 $0x2, s5  }
0x8: {  	s6 =	sshll.u32 s6, $0x4;
	s8 =	sshrl.u32 s5, $0x1;
	s7 =	sshrl.u32 s7, $0x3  }
0x9: {  	s9 =	sadd.s32 s6, s4;
	s8 =	ssub.s32 s5, s8;
	s7 =	sadd.s32 s7, s4  }
0xa: {  	s8 =	smax.u32 s8, $0x1;
	s4 =	sadd.s32 $0x1A00, s7;
	s5 =	sadd.s32 $0x2040, s7  }
0xb: {  	s6 =	sadd.s32 $0x2680, s7;
	s7 =	sadd.s32 $0x27200, s9;
	s9 =	simm.s32 $0x1  }
.LBB2_1:
0xc: {  	[tilespmem:s3], [sflag:$0x1] =	stream.linear.gather [hbm4b:s2+s3], $0x80, $0x38;
	[tilespmem:$0x6500] =	vst v63  }
0xd: {  	_ =	swait.ge [sflag:s9], $0x80  }
0xe: {  	[sflag:s9] =	ssyncset.done $0x0  }
0xf: {  	[sflag:s9] =	ssyncadd.s32 $0xFFFFFF80  }
0x10: {  	[tilespmem:s10], [sflag:$0x2] =	stream.linear.gather [hbm4b:s4+s3], $0x3200, $0x38;
	[tilespmem:$0x6500] =	vst v63  }
0x11: {  	_ = 	snop  }
0x12: {  	[tilespmem:s11], [sflag:$0x3] =	stream.linear.gather [hbm4b:s5+s3], $0x3200, $0x38;
	[tilespmem:$0x6500] =	vst v63  }
0x13: {  	_ =	swait.ge [sflag:s12], $0x3200  }
0x14: {  	[sflag:s12] =	ssyncset.done $0x0  }
0x15: {  	s17 =	simm.s32 $0x0;
	[sflag:s12] =	ssyncadd.s32 $0xFFFFCE00  }
0x16: {  	v0 =	vld [tilespmem:s17+$0xB0];
	_ =	sdelay $0x1  }
0x17: {  	v1 =	vld [tilespmem:s17+$0x80]  }
0x18: {  	v2 =	vld [tilespmem:s17+$0x90]  }
0x19: {  	s31 =	simm.s32 $0x40;
	v3 =	vld [tilespmem:s17+$0xA0]  }
0x1a: {  	v7 =	vld [tilespmem:s31+$0xB0]  }
0x1b: {  	v8 =	vld [tilespmem:s31+$0x80]  }
0x1c: {  	v9 =	vld [tilespmem:s31+$0x90]  }
0x1d: {  	v0 =	vld.idx.msk [tilespmem:v0+s3+$0x0], $0xffff  }
0x1e: {  	v10 =	vld [tilespmem:s31+$0xA0]  }
0x1f: {  	v6 =	vld.idx.msk [tilespmem:v1+s3+$0x0], $0xffff  }
0x20: {  	v4 =	vld.idx.msk [tilespmem:v2+s3+$0x0], $0xffff  }
0x21: {  	v1 =	vimm.f32 $0.0e+00;
	v5 =	vld.idx.msk [tilespmem:v3+s3+$0x0], $0xffff  }
0x22: {  	s18 =	simm.s32 $0x80;
	s17 =	simm.s32 $0x300;
	v7 =	vld.idx.msk [tilespmem:v7+s3+$0x0], $0xffff;
	v3 =	vimm.f32 $0.0e+00;
	v2 =	vimm.f32 $0.0e+00;
	v0 =	vadd.f32 v0, v1  }
.LBB2_2:
0x23: {  	p0 =	sne.s32 s17, $0xC700;
	v11 =	vld [tilespmem:s18+$0xB0]  }
0x24: {  	v1 =	vadd.f32 v6, v1;
	v12 =	vld [tilespmem:s18+$0x80]  }
0x25: {  	v3 =	vadd.f32 v4, v3;
	v13 =	vld [tilespmem:s18+$0x90]  }
0x26: {  	v2 =	vadd.f32 v5, v2;
	v14 =	vld [tilespmem:s18+$0xA0]  }
.Ltmp0:
0x27: {  	v6 =	vld.idx.msk [tilespmem:v8+s3+$0x0], $0xffff;
	(pc) =	sbr.rel @p0 .LBB2_2-.Ltmp0, $4  }
0x28: {  	v0 =	vadd.f32 v7, v0;
	v4 =	vld.idx.msk [tilespmem:v9+s3+$0x0], $0xffff  }
0x29: {  	v5 =	vld.idx.msk [tilespmem:v10+s3+$0x0], $0xffff;
	v8 =	vmov v12  }
0x2a: {  	v9 =	vmov v13  }
0x2b: {  	s18 =	sshra.s32 s17, $0x2;
	s17 =	sadd.s32 $0x100, s17;
	v7 =	vld.idx.msk [tilespmem:v11+s3+$0x0], $0xffff;
	v10 =	vmov v14  }
0x2c: {  	v11 =	vld [tilespmem:s18+$0xB0]  }
0x2d: {  	v12 =	vld [tilespmem:s18+$0x80]  }
0x2e: {  	v13 =	vld [tilespmem:s18+$0x90]  }
0x2f: {  	v14 =	vld [tilespmem:s18+$0xA0];
	_ =	sdelay $0x1  }
0x30: {  	v15 =	vld.idx.msk [tilespmem:v8+s3+$0x0], $0xffff  }
0x31: {  	v9 =	vld.idx.msk [tilespmem:v9+s3+$0x0], $0xffff  }
0x32: {  	v16 =	vld.idx.msk [tilespmem:v10+s3+$0x0], $0xffff  }
0x33: {  	v11 =	vld.idx.msk [tilespmem:v11+s3+$0x0], $0xffff  }
0x34: {  	v12 =	vld.idx.msk [tilespmem:v12+s3+$0x0], $0xffff  }
0x35: {  	s17 =	simm.s32 $0x0;
	v13 =	vld.idx.msk [tilespmem:v13+s3+$0x0], $0xffff  }
0x36: {  	v14 =	vld.idx.msk [tilespmem:v14+s3+$0x0], $0xffff;
	[tilespmem:s10], [sflag:$0x2] =	stream.linear.gather [hbm4b:s6+s17], $0x3200, $0x38  }
0x37: {  	_ =	swait.ge [sflag:s13], $0x3200  }
0x38: {  	[sflag:s13] =	ssyncset.done $0x0  }
0x39: {  	s30 =	simm.s32 $0x0;
	[sflag:s13] =	ssyncadd.s32 $0xFFFFCE00  }
0x3a: {  	v8 =	vld [tilespmem:s30+$0x32B0];
	_ =	sdelay $0x1  }
0x3b: {  	v17 =	vld [tilespmem:s30+$0x3280]  }
0x3c: {  	v18 =	vld [tilespmem:s30+$0x3290]  }
0x3d: {  	s31 =	simm.s32 $0x40;
	v19 =	vld [tilespmem:s30+$0x32A0]  }
0x3e: {  	v20 =	vld [tilespmem:s31+$0x32B0]  }
0x3f: {  	v10 =	vld [tilespmem:s31+$0x3290]  }
0x40: {  	v0 =	vadd.f32 v7, v0;
	v7 =	vld [tilespmem:s31+$0x32A0]  }
0x41: {  	v1 =	vadd.f32 v6, v1;
	v3 =	vadd.f32 v4, v3;
	v21 =	vld.idx.msk [tilespmem:v8+s3+$0x0], $0xffff  }
0x42: {  	v2 =	vadd.f32 v5, v2;
	v8 =	vld [tilespmem:s31+$0x3280]  }
0x43: {  	v1 =	vadd.f32 v15, v1;
	v3 =	vadd.f32 v9, v3;
	v4 =	vld.idx.msk [tilespmem:v17+s3+$0x0], $0xffff  }
0x44: {  	v2 =	vadd.f32 v16, v2;
	v9 =	vadd.f32 v11, v0;
	v5 =	vld.idx.msk [tilespmem:v18+s3+$0x0], $0xffff  }
0x45: {  	v0 =	vadd.f32 v12, v1;
	v1 =	vadd.f32 v13, v3;
	v6 =	vld.idx.msk [tilespmem:v19+s3+$0x0], $0xffff  }
0x46: {  	s18 =	simm.s32 $0x80;
	s17 =	simm.s32 $0x300;
	v2 =	vadd.f32 v14, v2;
	v3 =	vadd.f32 v21, v9;
	v9 =	vld.idx.msk [tilespmem:v20+s3+$0x0], $0xffff  }
.LBB2_4:
0x47: {  	p0 =	sne.s32 s17, $0xC700;
	v11 =	vld [tilespmem:s18+$0x32B0]  }
0x48: {  	v0 =	vadd.f32 v4, v0;
	v12 =	vld [tilespmem:s18+$0x3280]  }
0x49: {  	v1 =	vadd.f32 v5, v1;
	v13 =	vld [tilespmem:s18+$0x3290]  }
0x4a: {  	v2 =	vadd.f32 v6, v2;
	v14 =	vld [tilespmem:s18+$0x32A0]  }
.Ltmp1:
0x4b: {  	v4 =	vld.idx.msk [tilespmem:v8+s3+$0x0], $0xffff;
	(pc) =	sbr.rel @p0 .LBB2_4-.Ltmp1, $4  }
0x4c: {  	v3 =	vadd.f32 v9, v3;
	v5 =	vld.idx.msk [tilespmem:v10+s3+$0x0], $0xffff  }
0x4d: {  	v6 =	vld.idx.msk [tilespmem:v7+s3+$0x0], $0xffff;
	v8 =	vmov v12  }
0x4e: {  	v10 =	vmov v13  }
0x4f: {  	s18 =	sshra.s32 s17, $0x2;
	s17 =	sadd.s32 $0x100, s17;
	v9 =	vld.idx.msk [tilespmem:v11+s3+$0x0], $0xffff;
	v7 =	vmov v14  }
0x50: {  	v11 =	vld [tilespmem:s18+$0x32B0]  }
0x51: {  	v12 =	vld [tilespmem:s18+$0x3280]  }
0x52: {  	v13 =	vld [tilespmem:s18+$0x3290]  }
0x53: {  	v14 =	vld [tilespmem:s18+$0x32A0];
	_ =	sdelay $0x1  }
0x54: {  	v8 =	vld.idx.msk [tilespmem:v8+s3+$0x0], $0xffff  }
0x55: {  	v10 =	vld.idx.msk [tilespmem:v10+s3+$0x0], $0xffff  }
0x56: {  	v15 =	vld.idx.msk [tilespmem:v7+s3+$0x0], $0xffff  }
0x57: {  	v11 =	vld.idx.msk [tilespmem:v11+s3+$0x0], $0xffff  }
0x58: {  	v12 =	vld.idx.msk [tilespmem:v12+s3+$0x0], $0xffff  }
0x59: {  	v13 =	vld.idx.msk [tilespmem:v13+s3+$0x0], $0xffff  }
0x5a: {  	v14 =	vld.idx.msk [tilespmem:v14+s3+$0x0], $0xffff;
	_ =	swait.ge [sflag:s12], $0x3200  }
0x5b: {  	[sflag:s12] =	ssyncset.done $0x0  }
0x5c: {  	s17 =	simm.s32 $0x0;
	[sflag:s12] =	ssyncadd.s32 $0xFFFFCE00  }
0x5d: {  	v7 =	vld [tilespmem:s17+$0xB0];
	_ =	sdelay $0x1  }
0x5e: {  	v16 =	vld [tilespmem:s17+$0x80]  }
0x5f: {  	v17 =	vld [tilespmem:s17+$0x90]  }
0x60: {  	s31 =	simm.s32 $0x40;
	v18 =	vld [tilespmem:s17+$0xA0]  }
0x61: {  	v19 =	vld [tilespmem:s31+$0xB0]  }
0x62: {  	v0 =	vadd.f32 v4, v0;
	v4 =	vadd.f32 v5, v1;
	v1 =	vld [tilespmem:s31+$0x90]  }
0x63: {  	v5 =	vld [tilespmem:s31+$0xA0]  }
0x64: {  	v20 =	vld.idx.msk [tilespmem:v7+s3+$0x0], $0xffff  }
0x65: {  	v2 =	vadd.f32 v6, v2;
	v3 =	vadd.f32 v9, v3;
	v7 =	vld [tilespmem:s31+$0x80]  }
0x66: {  	v0 =	vadd.f32 v8, v0;
	v4 =	vadd.f32 v10, v4;
	v6 =	vld.idx.msk [tilespmem:v16+s3+$0x0], $0xffff  }
0x67: {  	v9 =	vadd.f32 v15, v2;
	v11 =	vadd.f32 v11, v3;
	v8 =	vld.idx.msk [tilespmem:v17+s3+$0x0], $0xffff  }
0x68: {  	v2 =	vadd.f32 v12, v0;
	v3 =	vadd.f32 v13, v4;
	v10 =	vld.idx.msk [tilespmem:v18+s3+$0x0], $0xffff  }
0x69: {  	s18 =	simm.s32 $0x80;
	s17 =	simm.s32 $0x300;
	v4 =	vadd.f32 v14, v9;
	v9 =	vld.idx.msk [tilespmem:v19+s3+$0x0], $0xffff;
	v0 =	vadd.f32 v20, v11  }
.LBB2_6:
0x6a: {  	p0 =	sne.s32 s17, $0xC700;
	v11 =	vld [tilespmem:s18+$0xB0]  }
0x6b: {  	v2 =	vadd.f32 v6, v2;
	v12 =	vld [tilespmem:s18+$0x80]  }
0x6c: {  	v3 =	vadd.f32 v8, v3;
	v13 =	vld [tilespmem:s18+$0x90]  }
0x6d: {  	v4 =	vadd.f32 v10, v4;
	v14 =	vld [tilespmem:s18+$0xA0]  }
.Ltmp2:
0x6e: {  	v6 =	vld.idx.msk [tilespmem:v7+s3+$0x0], $0xffff;
	(pc) =	sbr.rel @p0 .LBB2_6-.Ltmp2, $4  }
0x6f: {  	v0 =	vadd.f32 v9, v0;
	v8 =	vld.idx.msk [tilespmem:v1+s3+$0x0], $0xffff  }
0x70: {  	v10 =	vld.idx.msk [tilespmem:v5+s3+$0x0], $0xffff;
	v7 =	vmov v12  }
0x71: {  	v1 =	vmov v13  }
0x72: {  	s18 =	sshra.s32 s17, $0x2;
	s17 =	sadd.s32 $0x100, s17;
	v9 =	vld.idx.msk [tilespmem:v11+s3+$0x0], $0xffff;
	v5 =	vmov v14  }
0x73: {  	v11 =	vld [tilespmem:s18+$0x80]  }
0x74: {  	v12 =	vld [tilespmem:s18+$0x90];
	_ =	sdelay $0x1  }
0x75: {  	v13 =	vld [tilespmem:s18+$0xA0]  }
0x76: {  	v14 =	vld [tilespmem:s18+$0xB0]  }
0x77: {  	v7 =	vld.idx.msk [tilespmem:v7+s3+$0x0], $0xffff  }
0x78: {  	v1 =	vld.idx.msk [tilespmem:v1+s3+$0x0], $0xffff  }
0x79: {  	v5 =	vld.idx.msk [tilespmem:v5+s3+$0x0], $0xffff  }
0x7a: {  	v11 =	vld.idx.msk [tilespmem:v11+s3+$0x0], $0xffff  }
0x7b: {  	v12 =	vld.idx.msk [tilespmem:v12+s3+$0x0], $0xffff  }
0x7c: {  	v2 =	vadd.f32 v6, v2;
	v3 =	vadd.f32 v8, v3  }
0x7d: {  	v4 =	vadd.f32 v10, v4;
	v62 =	vld.idx.msk [tilespmem:v13+s3+$0x0], $0xffff  }
0x7e: {  	v2 =	vadd.f32 v7, v2;
	v1 =	vadd.f32 v1, v3  }
0x7f: {  	v4 =	vadd.f32 v5, v4;
	v63 =	vld.idx.msk [tilespmem:v14+s3+$0x0], $0xffff  }
0x80: {  	v2 =	vadd.f32 v11, v2;
	v1 =	vadd.f32 v12, v1  }
0x81: {  	v0 =	vadd.f32 v9, v0  }
0x82: {  	v4 =	vadd.f32 v62, v4;
	v1 =	vadd.f32 v1, v2;
	_ =	sdelay $0x1  }
0x83: {  	v0 =	vadd.f32 v63, v0;
	v1 =	vadd.f32 v4, v1;
	_ =	sdelay $0x1  }
0x84: {  	s16 =	sadd.s32 $0x1, s16;
	v0 =	vadd.f32 v0, v1  }
0x85: {  	p0 =	sne.s32 s16, s8  }
.Ltmp3:
0x86: {  	[tilespmem:$0x6480] =	vst v0;
	(pc) =	sbr.rel @p0 .LBB2_1-.Ltmp3, $4  }
0x87: {  	[hbm4b:s7+s3] =	stream.linear.scatter [tilespmem:s14], [sflag:$0x4], $0x80, $0x38;
	[tilespmem:$0x6500] =	vst v63  }
0x88: {  	_ =	swait.ge [sflag:s15], $0x80  }
0x89: {  	[sflag:s15] =	ssyncset.done $0x0  }
0x8a: {  	[sflag:s15] =	ssyncadd.s32 $0xFFFFFF80  }
0x8b: {  	_ =	sfence.sel $0x180000  }
0x8c: {  	[bflag:$0x0] =	sbarrier.arrive $0xFFFF  }
0x8d: {  	p0 =	sne.s32 s0, $0x0;
	_ =	strace $0x90000047  }
0x8e: {  	s0 =	sadd.s32 @!p0 $0x100000, s1;
	[bflag:$0x2] =	sbarrier.arrive $0xFFFF  }
0x8f: {  	[sflag:s0] =	ssyncadd.tile.s32 @!p0 $0x1;
	_ =	shalt  }
.Lfunc_end2:
_tile_overlayer_lowered:
.L_overlay_start_2:
0x90: {  	(tag) =	ssettag $0x2  }
0x91: {  	s0 =	rddreg [dreg:$0x0];
	s2 =	stileid.u32  }
0x92: {  	s1 =	rddreg [dreg:$0x1];
	p0 =	sne.s32 s2, $0x0  }
0x93: {  	s3 =	rddreg [dreg:$0x2];
	[bflag:$0x3] =	sbarrier.arrive $0xFFFF;
	s2 =	simm.s32 @!p0 $0x1C04  }
0x94: {  	[timem:s3], [sflag:s2] =	dma.local @!p0 [hbm:s0], s1  }
0x95: {  	s0 =	simm.s32 @!p0 $0x4  }
0x96: {  	_ =	swait.ge @!p0 [sflag:s0], s1  }
0x97: {  	s1 =	ssub.s32 @!p0 $0x0, s1;
	[sflag:s0] =	ssyncset.done @!p0 $0x0  }
0x98: {  	[sflag:s0] =	ssyncadd.s32 @!p0 s1  }
0x99: {  	[bflag:$0x3] =	sbarrier.arrive $0xFFFF  }
0x9a: {  	_ =	shalt  }

</sc_bundles>
